<compile_context>
chip_gen: v7x
topology: tpu7x:2x2x1
jax: 0.10.2.dev20260603
libtpu: 0.0.44.dev20260713+nightly
codegen_flags: <defaults>
</compile_context>

<pallas_src>
import functools

import jax
import jax.numpy as jnp
from jax import lax
from jax.experimental import pallas as pl
from jax.experimental.pallas import tpu as pltpu
from jax.experimental.pallas import tpu_sc as plsc

NUM_CODES = 8192
CODE_DIM = 32
COMMITMENT_COST = 0.25


_BLK = 512


def _argmin_body(x_ref, et_ref, codes_ref, loss_ref):
    i = pl.program_id(0)
    x_blk = x_ref[...]
    et = et_ref[...]
    e2 = jnp.sum(et * et, axis=0, keepdims=True)
    x2 = jnp.sum(x_blk * x_blk, axis=1, keepdims=True)
    dots = jnp.dot(x_blk.astype(jnp.bfloat16), et.astype(jnp.bfloat16),
                   preferred_element_type=jnp.float32)
    dist = (x2 + e2) - 2.0 * dots
    half = NUM_CODES // 2
    d_lo, d_hi = dist[:, :half], dist[:, half:]
    idx_half = lax.broadcasted_iota(jnp.int32, d_lo.shape, 1)
    v_lo = jnp.min(d_lo, axis=1, keepdims=True)
    w_lo = jnp.min(jnp.where(d_lo <= v_lo, idx_half, NUM_CODES), axis=1)
    v_hi = jnp.min(d_hi, axis=1, keepdims=True)
    w_hi = jnp.min(jnp.where(d_hi <= v_hi, idx_half, NUM_CODES), axis=1) + half
    v_lo = v_lo[:, 0]
    v_hi = v_hi[:, 0]
    take_hi = v_hi < v_lo.astype(jnp.bfloat16).astype(jnp.float32)
    codes = jnp.where(take_hi, w_hi, w_lo)
    codes_ref[0, 0, :] = codes
    part = jnp.sum(jnp.where(take_hi, v_hi, v_lo))

    @pl.when(i == 0)
    def _():
        loss_ref[0, 0] = 0.0

    loss_ref[0, 0] += part


def _tc_argmin(flat_x, emb_t):
    n = flat_x.shape[0]
    grid = n // _BLK
    codes3d, loss = pl.pallas_call(
        _argmin_body,
        grid=(grid,),
        in_specs=[
            pl.BlockSpec((_BLK, CODE_DIM), lambda i: (i, 0)),
            pl.BlockSpec((CODE_DIM, NUM_CODES), lambda i: (0, 0)),
        ],
        out_specs=[
            pl.BlockSpec((1, 1, _BLK), lambda i: (i, 0, 0)),
            pl.BlockSpec((1, 1), lambda i: (0, 0),
                         memory_space=pltpu.SMEM),
        ],
        out_shape=[
            jax.ShapeDtypeStruct((grid, 1, _BLK), jnp.int32),
            jax.ShapeDtypeStruct((1, 1), jnp.float32),
        ],
    )(flat_x, emb_t)
    return codes3d.reshape(-1), loss[0, 0]



_IDX_CHUNK = 128


def _sc_gather_body(table_hbm, idx_hbm, out_hbm, idx_v, rows_v, sem,
                    *, n_chunk, num_cores):
    wid = lax.axis_index("s") * num_cores + lax.axis_index("c")
    pltpu.sync_copy(idx_hbm.at[wid], idx_v)
    copies = []
    for j in range(n_chunk):
        copies.append(
            pltpu.async_copy(
                table_hbm.at[idx_v.at[j]],
                rows_v.at[pl.ds(j * _IDX_CHUNK, _IDX_CHUNK)],
                sem,
            ))
    for c in copies:
        c.wait()
    pltpu.sync_copy(rows_v, out_hbm.at[wid])


def _sc_gather(emb, codes):
    info = plsc.get_sparse_core_info()
    nw = info.num_cores * info.num_subcores
    n = codes.shape[0]
    b_per_w = n // nw
    n_chunk = b_per_w // _IDX_CHUNK
    mesh = plsc.VectorSubcoreMesh(core_axis_name="c", subcore_axis_name="s")
    kfn = pl.kernel(
        functools.partial(_sc_gather_body, n_chunk=n_chunk,
                          num_cores=info.num_cores),
        mesh=mesh,
        out_type=jax.ShapeDtypeStruct((nw, b_per_w, CODE_DIM), jnp.float32),
        scratch_types=[
            pltpu.VMEM((n_chunk, _IDX_CHUNK), jnp.int32),
            pltpu.VMEM((b_per_w, CODE_DIM), jnp.float32),
            pltpu.SemaphoreType.DMA,
        ],
        compiler_params=pltpu.CompilerParams(use_tc_tiling_on_sc=False),
    )
    out = kfn(emb, codes.reshape(nw, n_chunk, _IDX_CHUNK))
    return out.reshape(n, CODE_DIM)



def kernel(x, emb):
    B, D, H, W = x.shape
    flat_x = jnp.transpose(x, (0, 2, 3, 1)).reshape(-1, D)
    codes, loss_sum = _tc_argmin(flat_x, emb.T)
    flat_x_q = _sc_gather(emb, codes)
    x_q = jnp.transpose(flat_x_q.reshape(B, H, W, D), (0, 3, 1, 2))
    vq_loss = loss_sum * ((1.0 + COMMITMENT_COST) / (B * D * H * W))
    x_q_st = x + lax.stop_gradient(x_q - x)
    codes_map = codes.reshape(B, H, W)
    return (x_q_st, vq_loss, codes_map)

# --- scband reference (transcript-rebuilt; emitter-appended) ---
"""Pipeline reference for scband-joint-vector-quantizer-ema-61649960567434 (READ-ONLY COPY).

The authoritative reference and input builder live on the scoring server;
editing this copy changes nothing except your own understanding.
"""

import jax, jax.numpy as jnp
import numpy as np

NUM_CODES = 8192
CODE_DIM = 32
COMMITMENT_COST = 0.25

def setup_inputs(seed: int = 0) -> dict:
    key = jax.random.key(seed)
    k1, k2 = jax.random.split(key)
    x = jax.random.normal(k1, (8, CODE_DIM, 64, 64), dtype=jnp.float32)
    emb = jax.random.normal(k2, (NUM_CODES, CODE_DIM), dtype=jnp.float32)
    return {"x": x, "emb": emb}

def reference(x, emb):
    B, D, H, W = x.shape
    flat_x = jnp.transpose(x, (0, 2, 3, 1)).reshape(-1, D)
    distances = (jnp.sum(flat_x ** 2, axis=1, keepdims=True)
                 + jnp.sum(emb ** 2, axis=1)
                 - 2.0 * flat_x @ emb.T)
    codes = jnp.argmin(distances, axis=1)
    flat_x_q = jnp.take(emb, codes, axis=0)
    x_q = jnp.transpose(flat_x_q.reshape(B, H, W, D), (0, 3, 1, 2))
    vq_loss = (jnp.mean((jax.lax.stop_gradient(x_q) - x) ** 2)
               + COMMITMENT_COST * jnp.mean((x_q - jax.lax.stop_gradient(x)) ** 2))
    x_q_st = x + jax.lax.stop_gradient(x_q - x)
    codes_map = codes.reshape(B, H, W)
    return (x_q_st, vq_loss, codes_map)

if __name__ == "__main__":
    import jax
    _d = setup_inputs()
    print(jax.jit(kernel)(*tuple(_d.values())))

</pallas_src>

<mosaic_0001>
#map = affine_map<(d0, d1) -> (0, 0)>
#map1 = affine_map<(d0, d1) -> (0, 0, 0)>
module attributes {stable_mosaic.version = 14 : i64} {
  func.func @_sc_gather_body(%arg0: i32, %arg1: i32, %arg2: memref<8192x32xf32, #tpu.memory_space<hbm>>, %arg3: memref<32x8x128xi32, #tpu.memory_space<hbm>>, %arg4: memref<32x1024x32xf32, #tpu.memory_space<hbm>>, %arg5: memref<8x128xi32, #tpu.memory_space<vmem>>, %arg6: memref<1024x32xf32, #tpu.memory_space<vmem>>, %arg7: memref<!tpu.dma_semaphore, #tpu.memory_space<semaphore_mem>>) attributes {dimension_semantics = [#tpu.dimension_semantics<core_parallel>, #tpu.dimension_semantics<subcore_parallel>], iteration_bounds = array<i64: 2, 16>, scalar_prefetch = 0 : i64, scratch_operands = 3 : i64, tpu.core_type = #tpu.core_type<sc_vector_subcore>, window_params = [{transform_indices = #map}, {transform_indices = #map1}, {transform_indices = #map1}]} {
    %mul3A = arith.constant 2 : i32
    %mul3A_0 = arith.muli %arg1, %mul3A : i32
    %add3A = arith.addi %mul3A_0, %arg0 : i32
    "tpu.region"() ({
      %run_scoped3A = tpu.sem_alloc : memref<!tpu.dma_semaphore, #tpu.memory_space<semaphore_mem>>
      %dma_start3A_159 = arith.constant 0 : i32
      %dma_start3A_160 = arith.constant 0 : i32
      %dma_start3A_161 = tpu.memref_slice %arg3[%add3A, %dma_start3A_159, %dma_start3A_160] : memref<32x8x128xi32, #tpu.memory_space<hbm>> -> memref<1x8x128xi32, #tpu.memory_space<hbm>>
      %dma_start3A_162 = tpu.memref_squeeze %dma_start3A_161 : memref<1x8x128xi32, #tpu.memory_space<hbm>> -> memref<8x128xi32, #tpu.memory_space<hbm>>
      %dma_start3A_163 = arith.constant 0 : i32
      %dma_start3A_164 = arith.constant 0 : i32
      %dma_start3A_165 = tpu.memref_slice %arg3[%add3A, %dma_start3A_163, %dma_start3A_164] : memref<32x8x128xi32, #tpu.memory_space<hbm>> -> memref<1x8x128xi32, #tpu.memory_space<hbm>>
      %dma_start3A_166 = tpu.memref_squeeze %dma_start3A_165 : memref<1x8x128xi32, #tpu.memory_space<hbm>> -> memref<8x128xi32, #tpu.memory_space<hbm>>
      tpu.enqueue_dma source(%dma_start3A_166 : memref<8x128xi32, #tpu.memory_space<hbm>>) target(%arg5 : memref<8x128xi32, #tpu.memory_space<vmem>>) target_semaphore(%run_scoped3A : memref<!tpu.dma_semaphore, #tpu.memory_space<semaphore_mem>>)
      %dma_wait3A_167 = arith.constant 0 : i32
      %dma_wait3A_168 = arith.constant 0 : i32
      %dma_wait3A_169 = tpu.memref_slice %arg3[%add3A, %dma_wait3A_167, %dma_wait3A_168] : memref<32x8x128xi32, #tpu.memory_space<hbm>> -> memref<1x8x128xi32, #tpu.memory_space<hbm>>
      %dma_wait3A_170 = tpu.memref_squeeze %dma_wait3A_169 : memref<1x8x128xi32, #tpu.memory_space<hbm>> -> memref<8x128xi32, #tpu.memory_space<hbm>>
      %dma_wait3A_171 = arith.constant 0 : i32
      %dma_wait3A_172 = arith.constant 0 : i32
      %dma_wait3A_173 = tpu.memref_slice %arg3[%add3A, %dma_wait3A_171, %dma_wait3A_172] : memref<32x8x128xi32, #tpu.memory_space<hbm>> -> memref<1x8x128xi32, #tpu.memory_space<hbm>>
      %dma_wait3A_174 = tpu.memref_squeeze %dma_wait3A_173 : memref<1x8x128xi32, #tpu.memory_space<hbm>> -> memref<8x128xi32, #tpu.memory_space<hbm>>
      tpu.wait_dma2 semaphore(%run_scoped3A : memref<!tpu.dma_semaphore, #tpu.memory_space<semaphore_mem>>) src(%dma_wait3A_174 : memref<8x128xi32, #tpu.memory_space<hbm>>) dst(%arg5 : memref<8x128xi32, #tpu.memory_space<vmem>>)
      tpu.yield
    }) : () -> ()
    %dma_start3A = arith.constant 0 : i32
    %dma_start3A_1 = arith.constant 0 : i32
    %dma_start3A_2 = arith.constant 0 : i32
    %dma_start3A_3 = tpu.memref_slice %arg6[%dma_start3A_1, %dma_start3A_2] : memref<1024x32xf32, #tpu.memory_space<vmem>> -> memref<128x32xf32, #tpu.memory_space<vmem>>
    %dma_start3A_4 = arith.constant 0 : i32
    %dma_start3A_5 = tpu.memref_slice %arg5[%dma_start3A, %dma_start3A_4] : memref<8x128xi32, #tpu.memory_space<vmem>> -> memref<1x128xi32, #tpu.memory_space<vmem>>
    %dma_start3A_6 = tpu.memref_squeeze %dma_start3A_5 : memref<1x128xi32, #tpu.memory_space<vmem>> -> memref<128xi32, #tpu.memory_space<vmem>>
    %dma_start3A_7 = arith.constant 0 : i32
    %dma_start3A_8 = arith.constant 0 : i32
    %dma_start3A_9 = tpu.memref_slice %arg2[%dma_start3A_7, %dma_start3A_8] : memref<8192x32xf32, #tpu.memory_space<hbm>> -> memref<8192x32xf32, #tpu.memory_space<hbm>>
    tpu.enqueue_indirect_dma source(%dma_start3A_9 : memref<8192x32xf32, #tpu.memory_space<hbm>>) target(%dma_start3A_3 : memref<128x32xf32, #tpu.memory_space<vmem>>) offsets(%dma_start3A_6 : memref<128xi32, #tpu.memory_space<vmem>>) semaphore(%arg7 : memref<!tpu.dma_semaphore, #tpu.memory_space<semaphore_mem>>)
    %dma_start3A_10 = arith.constant 1 : i32
    %dma_start3A_11 = arith.constant 128 : i32
    %dma_start3A_12 = arith.constant 0 : i32
    %dma_start3A_13 = tpu.memref_slice %arg6[%dma_start3A_11, %dma_start3A_12] : memref<1024x32xf32, #tpu.memory_space<vmem>> -> memref<128x32xf32, #tpu.memory_space<vmem>>
    %dma_start3A_14 = arith.constant 0 : i32
    %dma_start3A_15 = tpu.memref_slice %arg5[%dma_start3A_10, %dma_start3A_14] : memref<8x128xi32, #tpu.memory_space<vmem>> -> memref<1x128xi32, #tpu.memory_space<vmem>>
    %dma_start3A_16 = tpu.memref_squeeze %dma_start3A_15 : memref<1x128xi32, #tpu.memory_space<vmem>> -> memref<128xi32, #tpu.memory_space<vmem>>
    %dma_start3A_17 = arith.constant 0 : i32
    %dma_start3A_18 = arith.constant 0 : i32
    %dma_start3A_19 = tpu.memref_slice %arg2[%dma_start3A_17, %dma_start3A_18] : memref<8192x32xf32, #tpu.memory_space<hbm>> -> memref<8192x32xf32, #tpu.memory_space<hbm>>
    tpu.enqueue_indirect_dma source(%dma_start3A_19 : memref<8192x32xf32, #tpu.memory_space<hbm>>) target(%dma_start3A_13 : memref<128x32xf32, #tpu.memory_space<vmem>>) offsets(%dma_start3A_16 : memref<128xi32, #tpu.memory_space<vmem>>) semaphore(%arg7 : memref<!tpu.dma_semaphore, #tpu.memory_space<semaphore_mem>>)
    %dma_start3A_20 = arith.constant 2 : i32
    %dma_start3A_21 = arith.constant 256 : i32
    %dma_start3A_22 = arith.constant 0 : i32
    %dma_start3A_23 = tpu.memref_slice %arg6[%dma_start3A_21, %dma_start3A_22] : memref<1024x32xf32, #tpu.memory_space<vmem>> -> memref<128x32xf32, #tpu.memory_space<vmem>>
    %dma_start3A_24 = arith.constant 0 : i32
    %dma_start3A_25 = tpu.memref_slice %arg5[%dma_start3A_20, %dma_start3A_24] : memref<8x128xi32, #tpu.memory_space<vmem>> -> memref<1x128xi32, #tpu.memory_space<vmem>>
    %dma_start3A_26 = tpu.memref_squeeze %dma_start3A_25 : memref<1x128xi32, #tpu.memory_space<vmem>> -> memref<128xi32, #tpu.memory_space<vmem>>
    %dma_start3A_27 = arith.constant 0 : i32
    %dma_start3A_28 = arith.constant 0 : i32
    %dma_start3A_29 = tpu.memref_slice %arg2[%dma_start3A_27, %dma_start3A_28] : memref<8192x32xf32, #tpu.memory_space<hbm>> -> memref<8192x32xf32, #tpu.memory_space<hbm>>
    tpu.enqueue_indirect_dma source(%dma_start3A_29 : memref<8192x32xf32, #tpu.memory_space<hbm>>) target(%dma_start3A_23 : memref<128x32xf32, #tpu.memory_space<vmem>>) offsets(%dma_start3A_26 : memref<128xi32, #tpu.memory_space<vmem>>) semaphore(%arg7 : memref<!tpu.dma_semaphore, #tpu.memory_space<semaphore_mem>>)
    %dma_start3A_30 = arith.constant 3 : i32
    %dma_start3A_31 = arith.constant 384 : i32
    %dma_start3A_32 = arith.constant 0 : i32
    %dma_start3A_33 = tpu.memref_slice %arg6[%dma_start3A_31, %dma_start3A_32] : memref<1024x32xf32, #tpu.memory_space<vmem>> -> memref<128x32xf32, #tpu.memory_space<vmem>>
    %dma_start3A_34 = arith.constant 0 : i32
    %dma_start3A_35 = tpu.memref_slice %arg5[%dma_start3A_30, %dma_start3A_34] : memref<8x128xi32, #tpu.memory_space<vmem>> -> memref<1x128xi32, #tpu.memory_space<vmem>>
    %dma_start3A_36 = tpu.memref_squeeze %dma_start3A_35 : memref<1x128xi32, #tpu.memory_space<vmem>> -> memref<128xi32, #tpu.memory_space<vmem>>
    %dma_start3A_37 = arith.constant 0 : i32
    %dma_start3A_38 = arith.constant 0 : i32
    %dma_start3A_39 = tpu.memref_slice %arg2[%dma_start3A_37, %dma_start3A_38] : memref<8192x32xf32, #tpu.memory_space<hbm>> -> memref<8192x32xf32, #tpu.memory_space<hbm>>
    tpu.enqueue_indirect_dma source(%dma_start3A_39 : memref<8192x32xf32, #tpu.memory_space<hbm>>) target(%dma_start3A_33 : memref<128x32xf32, #tpu.memory_space<vmem>>) offsets(%dma_start3A_36 : memref<128xi32, #tpu.memory_space<vmem>>) semaphore(%arg7 : memref<!tpu.dma_semaphore, #tpu.memory_space<semaphore_mem>>)
    %dma_start3A_40 = arith.constant 4 : i32
    %dma_start3A_41 = arith.constant 512 : i32
    %dma_start3A_42 = arith.constant 0 : i32
    %dma_start3A_43 = tpu.memref_slice %arg6[%dma_start3A_41, %dma_start3A_42] : memref<1024x32xf32, #tpu.memory_space<vmem>> -> memref<128x32xf32, #tpu.memory_space<vmem>>
    %dma_start3A_44 = arith.constant 0 : i32
    %dma_start3A_45 = tpu.memref_slice %arg5[%dma_start3A_40, %dma_start3A_44] : memref<8x128xi32, #tpu.memory_space<vmem>> -> memref<1x128xi32, #tpu.memory_space<vmem>>
    %dma_start3A_46 = tpu.memref_squeeze %dma_start3A_45 : memref<1x128xi32, #tpu.memory_space<vmem>> -> memref<128xi32, #tpu.memory_space<vmem>>
    %dma_start3A_47 = arith.constant 0 : i32
    %dma_start3A_48 = arith.constant 0 : i32
    %dma_start3A_49 = tpu.memref_slice %arg2[%dma_start3A_47, %dma_start3A_48] : memref<8192x32xf32, #tpu.memory_space<hbm>> -> memref<8192x32xf32, #tpu.memory_space<hbm>>
    tpu.enqueue_indirect_dma source(%dma_start3A_49 : memref<8192x32xf32, #tpu.memory_space<hbm>>) target(%dma_start3A_43 : memref<128x32xf32, #tpu.memory_space<vmem>>) offsets(%dma_start3A_46 : memref<128xi32, #tpu.memory_space<vmem>>) semaphore(%arg7 : memref<!tpu.dma_semaphore, #tpu.memory_space<semaphore_mem>>)
    %dma_start3A_50 = arith.constant 5 : i32
    %dma_start3A_51 = arith.constant 640 : i32
    %dma_start3A_52 = arith.constant 0 : i32
    %dma_start3A_53 = tpu.memref_slice %arg6[%dma_start3A_51, %dma_start3A_52] : memref<1024x32xf32, #tpu.memory_space<vmem>> -> memref<128x32xf32, #tpu.memory_space<vmem>>
    %dma_start3A_54 = arith.constant 0 : i32
    %dma_start3A_55 = tpu.memref_slice %arg5[%dma_start3A_50, %dma_start3A_54] : memref<8x128xi32, #tpu.memory_space<vmem>> -> memref<1x128xi32, #tpu.memory_space<vmem>>
    %dma_start3A_56 = tpu.memref_squeeze %dma_start3A_55 : memref<1x128xi32, #tpu.memory_space<vmem>> -> memref<128xi32, #tpu.memory_space<vmem>>
    %dma_start3A_57 = arith.constant 0 : i32
    %dma_start3A_58 = arith.constant 0 : i32
    %dma_start3A_59 = tpu.memref_slice %arg2[%dma_start3A_57, %dma_start3A_58] : memref<8192x32xf32, #tpu.memory_space<hbm>> -> memref<8192x32xf32, #tpu.memory_space<hbm>>
    tpu.enqueue_indirect_dma source(%dma_start3A_59 : memref<8192x32xf32, #tpu.memory_space<hbm>>) target(%dma_start3A_53 : memref<128x32xf32, #tpu.memory_space<vmem>>) offsets(%dma_start3A_56 : memref<128xi32, #tpu.memory_space<vmem>>) semaphore(%arg7 : memref<!tpu.dma_semaphore, #tpu.memory_space<semaphore_mem>>)
    %dma_start3A_60 = arith.constant 6 : i32
    %dma_start3A_61 = arith.constant 768 : i32
    %dma_start3A_62 = arith.constant 0 : i32
    %dma_start3A_63 = tpu.memref_slice %arg6[%dma_start3A_61, %dma_start3A_62] : memref<1024x32xf32, #tpu.memory_space<vmem>> -> memref<128x32xf32, #tpu.memory_space<vmem>>
    %dma_start3A_64 = arith.constant 0 : i32
    %dma_start3A_65 = tpu.memref_slice %arg5[%dma_start3A_60, %dma_start3A_64] : memref<8x128xi32, #tpu.memory_space<vmem>> -> memref<1x128xi32, #tpu.memory_space<vmem>>
    %dma_start3A_66 = tpu.memref_squeeze %dma_start3A_65 : memref<1x128xi32, #tpu.memory_space<vmem>> -> memref<128xi32, #tpu.memory_space<vmem>>
    %dma_start3A_67 = arith.constant 0 : i32
    %dma_start3A_68 = arith.constant 0 : i32
    %dma_start3A_69 = tpu.memref_slice %arg2[%dma_start3A_67, %dma_start3A_68] : memref<8192x32xf32, #tpu.memory_space<hbm>> -> memref<8192x32xf32, #tpu.memory_space<hbm>>
    tpu.enqueue_indirect_dma source(%dma_start3A_69 : memref<8192x32xf32, #tpu.memory_space<hbm>>) target(%dma_start3A_63 : memref<128x32xf32, #tpu.memory_space<vmem>>) offsets(%dma_start3A_66 : memref<128xi32, #tpu.memory_space<vmem>>) semaphore(%arg7 : memref<!tpu.dma_semaphore, #tpu.memory_space<semaphore_mem>>)
    %dma_start3A_70 = arith.constant 7 : i32
    %dma_start3A_71 = arith.constant 896 : i32
    %dma_start3A_72 = arith.constant 0 : i32
    %dma_start3A_73 = tpu.memref_slice %arg6[%dma_start3A_71, %dma_start3A_72] : memref<1024x32xf32, #tpu.memory_space<vmem>> -> memref<128x32xf32, #tpu.memory_space<vmem>>
    %dma_start3A_74 = arith.constant 0 : i32
    %dma_start3A_75 = tpu.memref_slice %arg5[%dma_start3A_70, %dma_start3A_74] : memref<8x128xi32, #tpu.memory_space<vmem>> -> memref<1x128xi32, #tpu.memory_space<vmem>>
    %dma_start3A_76 = tpu.memref_squeeze %dma_start3A_75 : memref<1x128xi32, #tpu.memory_space<vmem>> -> memref<128xi32, #tpu.memory_space<vmem>>
    %dma_start3A_77 = arith.constant 0 : i32
    %dma_start3A_78 = arith.constant 0 : i32
    %dma_start3A_79 = tpu.memref_slice %arg2[%dma_start3A_77, %dma_start3A_78] : memref<8192x32xf32, #tpu.memory_space<hbm>> -> memref<8192x32xf32, #tpu.memory_space<hbm>>
    tpu.enqueue_indirect_dma source(%dma_start3A_79 : memref<8192x32xf32, #tpu.memory_space<hbm>>) target(%dma_start3A_73 : memref<128x32xf32, #tpu.memory_space<vmem>>) offsets(%dma_start3A_76 : memref<128xi32, #tpu.memory_space<vmem>>) semaphore(%arg7 : memref<!tpu.dma_semaphore, #tpu.memory_space<semaphore_mem>>)
    %dma_wait3A = arith.constant 0 : i32
    %dma_wait3A_80 = arith.constant 0 : i32
    %dma_wait3A_81 = arith.constant 0 : i32
    %dma_wait3A_82 = tpu.memref_slice %arg6[%dma_wait3A_80, %dma_wait3A_81] : memref<1024x32xf32, #tpu.memory_space<vmem>> -> memref<128x32xf32, #tpu.memory_space<vmem>>
    %dma_wait3A_83 = arith.constant 0 : i32
    %dma_wait3A_84 = tpu.memref_slice %arg5[%dma_wait3A, %dma_wait3A_83] : memref<8x128xi32, #tpu.memory_space<vmem>> -> memref<1x128xi32, #tpu.memory_space<vmem>>
    %dma_wait3A_85 = tpu.memref_squeeze %dma_wait3A_84 : memref<1x128xi32, #tpu.memory_space<vmem>> -> memref<128xi32, #tpu.memory_space<vmem>>
    %dma_wait3A_86 = arith.constant 0 : i32
    %dma_wait3A_87 = arith.constant 0 : i32
    %dma_wait3A_88 = tpu.memref_slice %arg2[%dma_wait3A_86, %dma_wait3A_87] : memref<8192x32xf32, #tpu.memory_space<hbm>> -> memref<8192x32xf32, #tpu.memory_space<hbm>>
    tpu.wait_indirect_dma semaphore(%arg7 : memref<!tpu.dma_semaphore, #tpu.memory_space<semaphore_mem>>) src(%dma_wait3A_88 : memref<8192x32xf32, #tpu.memory_space<hbm>>) dst(%dma_wait3A_82 : memref<128x32xf32, #tpu.memory_space<vmem>>)
    %dma_wait3A_89 = arith.constant 1 : i32
    %dma_wait3A_90 = arith.constant 128 : i32
    %dma_wait3A_91 = arith.constant 0 : i32
    %dma_wait3A_92 = tpu.memref_slice %arg6[%dma_wait3A_90, %dma_wait3A_91] : memref<1024x32xf32, #tpu.memory_space<vmem>> -> memref<128x32xf32, #tpu.memory_space<vmem>>
    %dma_wait3A_93 = arith.constant 0 : i32
    %dma_wait3A_94 = tpu.memref_slice %arg5[%dma_wait3A_89, %dma_wait3A_93] : memref<8x128xi32, #tpu.memory_space<vmem>> -> memref<1x128xi32, #tpu.memory_space<vmem>>
    %dma_wait3A_95 = tpu.memref_squeeze %dma_wait3A_94 : memref<1x128xi32, #tpu.memory_space<vmem>> -> memref<128xi32, #tpu.memory_space<vmem>>
    %dma_wait3A_96 = arith.constant 0 : i32
    %dma_wait3A_97 = arith.constant 0 : i32
    %dma_wait3A_98 = tpu.memref_slice %arg2[%dma_wait3A_96, %dma_wait3A_97] : memref<8192x32xf32, #tpu.memory_space<hbm>> -> memref<8192x32xf32, #tpu.memory_space<hbm>>
    tpu.wait_indirect_dma semaphore(%arg7 : memref<!tpu.dma_semaphore, #tpu.memory_space<semaphore_mem>>) src(%dma_wait3A_98 : memref<8192x32xf32, #tpu.memory_space<hbm>>) dst(%dma_wait3A_92 : memref<128x32xf32, #tpu.memory_space<vmem>>)
    %dma_wait3A_99 = arith.constant 2 : i32
    %dma_wait3A_100 = arith.constant 256 : i32
    %dma_wait3A_101 = arith.constant 0 : i32
    %dma_wait3A_102 = tpu.memref_slice %arg6[%dma_wait3A_100, %dma_wait3A_101] : memref<1024x32xf32, #tpu.memory_space<vmem>> -> memref<128x32xf32, #tpu.memory_space<vmem>>
    %dma_wait3A_103 = arith.constant 0 : i32
    %dma_wait3A_104 = tpu.memref_slice %arg5[%dma_wait3A_99, %dma_wait3A_103] : memref<8x128xi32, #tpu.memory_space<vmem>> -> memref<1x128xi32, #tpu.memory_space<vmem>>
    %dma_wait3A_105 = tpu.memref_squeeze %dma_wait3A_104 : memref<1x128xi32, #tpu.memory_space<vmem>> -> memref<128xi32, #tpu.memory_space<vmem>>
    %dma_wait3A_106 = arith.constant 0 : i32
    %dma_wait3A_107 = arith.constant 0 : i32
    %dma_wait3A_108 = tpu.memref_slice %arg2[%dma_wait3A_106, %dma_wait3A_107] : memref<8192x32xf32, #tpu.memory_space<hbm>> -> memref<8192x32xf32, #tpu.memory_space<hbm>>
    tpu.wait_indirect_dma semaphore(%arg7 : memref<!tpu.dma_semaphore, #tpu.memory_space<semaphore_mem>>) src(%dma_wait3A_108 : memref<8192x32xf32, #tpu.memory_space<hbm>>) dst(%dma_wait3A_102 : memref<128x32xf32, #tpu.memory_space<vmem>>)
    %dma_wait3A_109 = arith.constant 3 : i32
    %dma_wait3A_110 = arith.constant 384 : i32
    %dma_wait3A_111 = arith.constant 0 : i32
    %dma_wait3A_112 = tpu.memref_slice %arg6[%dma_wait3A_110, %dma_wait3A_111] : memref<1024x32xf32, #tpu.memory_space<vmem>> -> memref<128x32xf32, #tpu.memory_space<vmem>>
    %dma_wait3A_113 = arith.constant 0 : i32
    %dma_wait3A_114 = tpu.memref_slice %arg5[%dma_wait3A_109, %dma_wait3A_113] : memref<8x128xi32, #tpu.memory_space<vmem>> -> memref<1x128xi32, #tpu.memory_space<vmem>>
    %dma_wait3A_115 = tpu.memref_squeeze %dma_wait3A_114 : memref<1x128xi32, #tpu.memory_space<vmem>> -> memref<128xi32, #tpu.memory_space<vmem>>
    %dma_wait3A_116 = arith.constant 0 : i32
    %dma_wait3A_117 = arith.constant 0 : i32
    %dma_wait3A_118 = tpu.memref_slice %arg2[%dma_wait3A_116, %dma_wait3A_117] : memref<8192x32xf32, #tpu.memory_space<hbm>> -> memref<8192x32xf32, #tpu.memory_space<hbm>>
    tpu.wait_indirect_dma semaphore(%arg7 : memref<!tpu.dma_semaphore, #tpu.memory_space<semaphore_mem>>) src(%dma_wait3A_118 : memref<8192x32xf32, #tpu.memory_space<hbm>>) dst(%dma_wait3A_112 : memref<128x32xf32, #tpu.memory_space<vmem>>)
    %dma_wait3A_119 = arith.constant 4 : i32
    %dma_wait3A_120 = arith.constant 512 : i32
    %dma_wait3A_121 = arith.constant 0 : i32
    %dma_wait3A_122 = tpu.memref_slice %arg6[%dma_wait3A_120, %dma_wait3A_121] : memref<1024x32xf32, #tpu.memory_space<vmem>> -> memref<128x32xf32, #tpu.memory_space<vmem>>
    %dma_wait3A_123 = arith.constant 0 : i32
    %dma_wait3A_124 = tpu.memref_slice %arg5[%dma_wait3A_119, %dma_wait3A_123] : memref<8x128xi32, #tpu.memory_space<vmem>> -> memref<1x128xi32, #tpu.memory_space<vmem>>
    %dma_wait3A_125 = tpu.memref_squeeze %dma_wait3A_124 : memref<1x128xi32, #tpu.memory_space<vmem>> -> memref<128xi32, #tpu.memory_space<vmem>>
    %dma_wait3A_126 = arith.constant 0 : i32
    %dma_wait3A_127 = arith.constant 0 : i32
    %dma_wait3A_128 = tpu.memref_slice %arg2[%dma_wait3A_126, %dma_wait3A_127] : memref<8192x32xf32, #tpu.memory_space<hbm>> -> memref<8192x32xf32, #tpu.memory_space<hbm>>
    tpu.wait_indirect_dma semaphore(%arg7 : memref<!tpu.dma_semaphore, #tpu.memory_space<semaphore_mem>>) src(%dma_wait3A_128 : memref<8192x32xf32, #tpu.memory_space<hbm>>) dst(%dma_wait3A_122 : memref<128x32xf32, #tpu.memory_space<vmem>>)
    %dma_wait3A_129 = arith.constant 5 : i32
    %dma_wait3A_130 = arith.constant 640 : i32
    %dma_wait3A_131 = arith.constant 0 : i32
    %dma_wait3A_132 = tpu.memref_slice %arg6[%dma_wait3A_130, %dma_wait3A_131] : memref<1024x32xf32, #tpu.memory_space<vmem>> -> memref<128x32xf32, #tpu.memory_space<vmem>>
    %dma_wait3A_133 = arith.constant 0 : i32
    %dma_wait3A_134 = tpu.memref_slice %arg5[%dma_wait3A_129, %dma_wait3A_133] : memref<8x128xi32, #tpu.memory_space<vmem>> -> memref<1x128xi32, #tpu.memory_space<vmem>>
    %dma_wait3A_135 = tpu.memref_squeeze %dma_wait3A_134 : memref<1x128xi32, #tpu.memory_space<vmem>> -> memref<128xi32, #tpu.memory_space<vmem>>
    %dma_wait3A_136 = arith.constant 0 : i32
    %dma_wait3A_137 = arith.constant 0 : i32
    %dma_wait3A_138 = tpu.memref_slice %arg2[%dma_wait3A_136, %dma_wait3A_137] : memref<8192x32xf32, #tpu.memory_space<hbm>> -> memref<8192x32xf32, #tpu.memory_space<hbm>>
    tpu.wait_indirect_dma semaphore(%arg7 : memref<!tpu.dma_semaphore, #tpu.memory_space<semaphore_mem>>) src(%dma_wait3A_138 : memref<8192x32xf32, #tpu.memory_space<hbm>>) dst(%dma_wait3A_132 : memref<128x32xf32, #tpu.memory_space<vmem>>)
    %dma_wait3A_139 = arith.constant 6 : i32
    %dma_wait3A_140 = arith.constant 768 : i32
    %dma_wait3A_141 = arith.constant 0 : i32
    %dma_wait3A_142 = tpu.memref_slice %arg6[%dma_wait3A_140, %dma_wait3A_141] : memref<1024x32xf32, #tpu.memory_space<vmem>> -> memref<128x32xf32, #tpu.memory_space<vmem>>
    %dma_wait3A_143 = arith.constant 0 : i32
    %dma_wait3A_144 = tpu.memref_slice %arg5[%dma_wait3A_139, %dma_wait3A_143] : memref<8x128xi32, #tpu.memory_space<vmem>> -> memref<1x128xi32, #tpu.memory_space<vmem>>
    %dma_wait3A_145 = tpu.memref_squeeze %dma_wait3A_144 : memref<1x128xi32, #tpu.memory_space<vmem>> -> memref<128xi32, #tpu.memory_space<vmem>>
    %dma_wait3A_146 = arith.constant 0 : i32
    %dma_wait3A_147 = arith.constant 0 : i32
    %dma_wait3A_148 = tpu.memref_slice %arg2[%dma_wait3A_146, %dma_wait3A_147] : memref<8192x32xf32, #tpu.memory_space<hbm>> -> memref<8192x32xf32, #tpu.memory_space<hbm>>
    tpu.wait_indirect_dma semaphore(%arg7 : memref<!tpu.dma_semaphore, #tpu.memory_space<semaphore_mem>>) src(%dma_wait3A_148 : memref<8192x32xf32, #tpu.memory_space<hbm>>) dst(%dma_wait3A_142 : memref<128x32xf32, #tpu.memory_space<vmem>>)
    %dma_wait3A_149 = arith.constant 7 : i32
    %dma_wait3A_150 = arith.constant 896 : i32
    %dma_wait3A_151 = arith.constant 0 : i32
    %dma_wait3A_152 = tpu.memref_slice %arg6[%dma_wait3A_150, %dma_wait3A_151] : memref<1024x32xf32, #tpu.memory_space<vmem>> -> memref<128x32xf32, #tpu.memory_space<vmem>>
    %dma_wait3A_153 = arith.constant 0 : i32
    %dma_wait3A_154 = tpu.memref_slice %arg5[%dma_wait3A_149, %dma_wait3A_153] : memref<8x128xi32, #tpu.memory_space<vmem>> -> memref<1x128xi32, #tpu.memory_space<vmem>>
    %dma_wait3A_155 = tpu.memref_squeeze %dma_wait3A_154 : memref<1x128xi32, #tpu.memory_space<vmem>> -> memref<128xi32, #tpu.memory_space<vmem>>
    %dma_wait3A_156 = arith.constant 0 : i32
    %dma_wait3A_157 = arith.constant 0 : i32
    %dma_wait3A_158 = tpu.memref_slice %arg2[%dma_wait3A_156, %dma_wait3A_157] : memref<8192x32xf32, #tpu.memory_space<hbm>> -> memref<8192x32xf32, #tpu.memory_space<hbm>>
    tpu.wait_indirect_dma semaphore(%arg7 : memref<!tpu.dma_semaphore, #tpu.memory_space<semaphore_mem>>) src(%dma_wait3A_158 : memref<8192x32xf32, #tpu.memory_space<hbm>>) dst(%dma_wait3A_152 : memref<128x32xf32, #tpu.memory_space<vmem>>)
    "tpu.region"() ({
      %run_scoped3A = tpu.sem_alloc : memref<!tpu.dma_semaphore, #tpu.memory_space<semaphore_mem>>
      %dma_start3A_159 = arith.constant 0 : i32
      %dma_start3A_160 = arith.constant 0 : i32
      %dma_start3A_161 = tpu.memref_slice %arg4[%add3A, %dma_start3A_159, %dma_start3A_160] : memref<32x1024x32xf32, #tpu.memory_space<hbm>> -> memref<1x1024x32xf32, #tpu.memory_space<hbm>>
      %dma_start3A_162 = tpu.memref_squeeze %dma_start3A_161 : memref<1x1024x32xf32, #tpu.memory_space<hbm>> -> memref<1024x32xf32, #tpu.memory_space<hbm>>
      %dma_start3A_163 = arith.constant 0 : i32
      %dma_start3A_164 = arith.constant 0 : i32
      %dma_start3A_165 = tpu.memref_slice %arg4[%add3A, %dma_start3A_163, %dma_start3A_164] : memref<32x1024x32xf32, #tpu.memory_space<hbm>> -> memref<1x1024x32xf32, #tpu.memory_space<hbm>>
      %dma_start3A_166 = tpu.memref_squeeze %dma_start3A_165 : memref<1x1024x32xf32, #tpu.memory_space<hbm>> -> memref<1024x32xf32, #tpu.memory_space<hbm>>
      tpu.enqueue_dma source(%arg6 : memref<1024x32xf32, #tpu.memory_space<vmem>>) target(%dma_start3A_166 : memref<1024x32xf32, #tpu.memory_space<hbm>>) target_semaphore(%run_scoped3A : memref<!tpu.dma_semaphore, #tpu.memory_space<semaphore_mem>>)
      %dma_wait3A_167 = arith.constant 0 : i32
      %dma_wait3A_168 = arith.constant 0 : i32
      %dma_wait3A_169 = tpu.memref_slice %arg4[%add3A, %dma_wait3A_167, %dma_wait3A_168] : memref<32x1024x32xf32, #tpu.memory_space<hbm>> -> memref<1x1024x32xf32, #tpu.memory_space<hbm>>
      %dma_wait3A_170 = tpu.memref_squeeze %dma_wait3A_169 : memref<1x1024x32xf32, #tpu.memory_space<hbm>> -> memref<1024x32xf32, #tpu.memory_space<hbm>>
      %dma_wait3A_171 = arith.constant 0 : i32
      %dma_wait3A_172 = arith.constant 0 : i32
      %dma_wait3A_173 = tpu.memref_slice %arg4[%add3A, %dma_wait3A_171, %dma_wait3A_172] : memref<32x1024x32xf32, #tpu.memory_space<hbm>> -> memref<1x1024x32xf32, #tpu.memory_space<hbm>>
      %dma_wait3A_174 = tpu.memref_squeeze %dma_wait3A_173 : memref<1x1024x32xf32, #tpu.memory_space<hbm>> -> memref<1024x32xf32, #tpu.memory_space<hbm>>
      tpu.wait_dma2 semaphore(%run_scoped3A : memref<!tpu.dma_semaphore, #tpu.memory_space<semaphore_mem>>) src(%arg6 : memref<1024x32xf32, #tpu.memory_space<vmem>>) dst(%dma_wait3A_174 : memref<1024x32xf32, #tpu.memory_space<hbm>>)
      tpu.yield
    }) : () -> ()
    return
  }
}

module attributes {stable_mosaic.version = 14 : i64} {
  func.func @_argmin_body(%arg0: i32, %arg1: memref<512x32xf32, #tpu.memory_space<vmem>>, %arg2: memref<32x8192xf32, #tpu.memory_space<vmem>>, %arg3: memref<1x1x512xi32, #tpu.memory_space<vmem>>, %arg4: memref<1x1xf32, #tpu.memory_space<smem>>) attributes {dimension_semantics = [#tpu.dimension_semantics<arbitrary>], iteration_bounds = array<i64: 64>, scalar_prefetch = 0 : i64, scratch_operands = 0 : i64, tpu.core_type = #tpu.core_type<tc>, window_params = [{transform_indices = @transform_0, window_bounds = array<i64: 512, 32>}, {pipeline_mode = #tpu.pipeline_mode<synchronous>, transform_indices = @transform_1, window_bounds = array<i64: 32, 8192>}, {transform_indices = @transform_2, window_bounds = array<i64: 1, 1, 512>}, {transform_indices = @transform_3, window_bounds = array<i64: 1, 1>}]} {
    %get3A = arith.constant 0 : index
    %get3A_0 = arith.constant 0 : index
    %get3A_1 = vector.load %arg1[%get3A, %get3A_0] : memref<512x32xf32, #tpu.memory_space<vmem>>, vector<512x32xf32>
    %get3A_2 = arith.constant 0 : index
    %get3A_3 = arith.constant 0 : index
    %get3A_4 = vector.load %arg2[%get3A_2, %get3A_3] : memref<32x8192xf32, #tpu.memory_space<vmem>>, vector<32x8192xf32>
    %mul3A = arith.mulf %get3A_4, %get3A_4 : vector<32x8192xf32>
    %reduce_sum3A = arith.constant dense<0.000000e+00> : vector<8192xf32>
    %reduce_sum3A_5 = vector.multi_reduction <add>, %mul3A, %reduce_sum3A [0] : vector<32x8192xf32> to vector<8192xf32>
    %broadcast_in_dim3A = vector.shape_cast %reduce_sum3A_5 : vector<8192xf32> to vector<1x8192xf32>
    %mul3A_6 = arith.mulf %get3A_1, %get3A_1 : vector<512x32xf32>
    %reduce_sum3A_7 = arith.constant dense<0.000000e+00> : vector<512xf32>
    %reduce_sum3A_8 = vector.multi_reduction <add>, %mul3A_6, %reduce_sum3A_7 [1] : vector<512x32xf32> to vector<512xf32>
    %broadcast_in_dim3A_9 = vector.shape_cast %reduce_sum3A_8 : vector<512xf32> to vector<512x1xf32>
    %convert_element_type3A = arith.truncf %get3A_1 : vector<512x32xf32> to vector<512x32xbf16>
    %convert_element_type3A_10 = arith.truncf %get3A_4 : vector<32x8192xf32> to vector<32x8192xbf16>
    %dot_general3A = arith.constant dense<0.000000e+00> : vector<512x8192xf32>
    %dot_general3A_11 = tpu.matmul %convert_element_type3A, %convert_element_type3A_10, %dot_general3A {dimension_numbers = #tpu.dot_dimension_numbers<[1], [0], [0], [1], [0, 0, 1, 1], [], []>, transpose_lhs_hint = false} : vector<512x32xbf16>, vector<32x8192xbf16>, vector<512x8192xf32> -> vector<512x8192xf32>
    %add3A = vector.broadcast %broadcast_in_dim3A_9 : vector<512x1xf32> to vector<512x8192xf32>
    %add3A_12 = vector.broadcast %broadcast_in_dim3A : vector<1x8192xf32> to vector<512x8192xf32>
    %add3A_13 = arith.addf %add3A, %add3A_12 : vector<512x8192xf32>
    %mul3A_14 = arith.constant 2.000000e+00 : f32
    %mul3A_15 = vector.broadcast %mul3A_14 : f32 to vector<512x8192xf32>
    %mul3A_16 = arith.mulf %mul3A_15, %dot_general3A_11 : vector<512x8192xf32>
    %sub3A = arith.subf %add3A_13, %mul3A_16 : vector<512x8192xf32>
    %slice3A = vector.extract_strided_slice %sub3A {offsets = [0, 0], sizes = [512, 4096], strides = [1, 1]} : vector<512x8192xf32> to vector<512x4096xf32>
    %slice3A_17 = vector.extract_strided_slice %sub3A {offsets = [0, 4096], sizes = [512, 4096], strides = [1, 1]} : vector<512x8192xf32> to vector<512x4096xf32>
    %iota3A = tpu.iota {dimensions = array<i32: 1>} : vector<512x4096xi32>
    %reduce_min3A = arith.constant dense<0x7F800000> : vector<512xf32>
    %reduce_min3A_18 = vector.multi_reduction <minimumf>, %slice3A, %reduce_min3A [1] : vector<512x4096xf32> to vector<512xf32>
    %broadcast_in_dim3A_19 = vector.shape_cast %reduce_min3A_18 : vector<512xf32> to vector<512x1xf32>
    %le3A = vector.broadcast %broadcast_in_dim3A_19 : vector<512x1xf32> to vector<512x4096xf32>
    %le3A_20 = arith.cmpf ole, %slice3A, %le3A : vector<512x4096xf32>
    %jit3A = arith.constant 8192 : i32
    %broadcast_in_dim3A_21 = vector.broadcast %jit3A : i32 to vector<512x4096xi32>
    %select_n3A = arith.select %le3A_20, %iota3A, %broadcast_in_dim3A_21 : vector<512x4096xi1>, vector<512x4096xi32>
    %reduce_min3A_22 = arith.constant dense<2147483647> : vector<512xi32>
    %reduce_min3A_23 = vector.multi_reduction <minsi>, %select_n3A, %reduce_min3A_22 [1] : vector<512x4096xi32> to vector<512xi32>
    %reduce_min3A_24 = arith.constant dense<0x7F800000> : vector<512xf32>
    %reduce_min3A_25 = vector.multi_reduction <minimumf>, %slice3A_17, %reduce_min3A_24 [1] : vector<512x4096xf32> to vector<512xf32>
    %broadcast_in_dim3A_26 = vector.shape_cast %reduce_min3A_25 : vector<512xf32> to vector<512x1xf32>
    %le3A_27 = vector.broadcast %broadcast_in_dim3A_26 : vector<512x1xf32> to vector<512x4096xf32>
    %le3A_28 = arith.cmpf ole, %slice3A_17, %le3A_27 : vector<512x4096xf32>
    %jit3A_29 = arith.constant 8192 : i32
    %broadcast_in_dim3A_30 = vector.broadcast %jit3A_29 : i32 to vector<512x4096xi32>
    %select_n3A_31 = arith.select %le3A_28, %iota3A, %broadcast_in_dim3A_30 : vector<512x4096xi1>, vector<512x4096xi32>
    %reduce_min3A_32 = arith.constant dense<2147483647> : vector<512xi32>
    %reduce_min3A_33 = vector.multi_reduction <minsi>, %select_n3A_31, %reduce_min3A_32 [1] : vector<512x4096xi32> to vector<512xi32>
    %add3A_34 = arith.constant 4096 : i32
    %add3A_35 = vector.broadcast %add3A_34 : i32 to vector<512xi32>
    %add3A_36 = arith.addi %reduce_min3A_33, %add3A_35 : vector<512xi32>
    %squeeze3A = vector.shape_cast %broadcast_in_dim3A_19 : vector<512x1xf32> to vector<512xf32>
    %squeeze3A_37 = vector.shape_cast %broadcast_in_dim3A_26 : vector<512x1xf32> to vector<512xf32>
    %convert_element_type3A_38 = arith.truncf %squeeze3A : vector<512xf32> to vector<512xbf16>
    %convert_element_type3A_39 = arith.extf %convert_element_type3A_38 : vector<512xbf16> to vector<512xf32>
    %lt3A = arith.cmpf olt, %squeeze3A_37, %convert_element_type3A_39 : vector<512xf32>
    %select_n3A_40 = arith.select %lt3A, %add3A_36, %reduce_min3A_23 : vector<512xi1>, vector<512xi32>
    %swap3A = arith.constant 0 : index
    %swap3A_41 = arith.constant 0 : index
    %swap3A_42 = arith.constant 0 : index
    %swap3A_43 = vector.load %arg3[%swap3A, %swap3A_41, %swap3A_42] : memref<1x1x512xi32, #tpu.memory_space<vmem>>, vector<1x1x512xi32>
    %swap3A_44 = vector.shape_cast %swap3A_43 : vector<1x1x512xi32> to vector<512xi32>
    %swap3A_45 = vector.shape_cast %select_n3A_40 : vector<512xi32> to vector<1x1x512xi32>
    tpu.vector_store %arg3[%swap3A, %swap3A_41, %swap3A_42], %swap3A_45 {strides = array<i32>} : memref<1x1x512xi32, #tpu.memory_space<vmem>>, vector<1x1x512xi32>,
    %select_n3A_46 = arith.select %lt3A, %squeeze3A_37, %squeeze3A : vector<512xi1>, vector<512xf32>
    %reduce_sum3A_47 = vector.shape_cast %select_n3A_46 : vector<512xf32> to vector<1x512xf32>
    %reduce_sum3A_48 = arith.constant dense<0.000000e+00> : vector<1xf32>
    %reduce_sum3A_49 = vector.multi_reduction <add>, %reduce_sum3A_47, %reduce_sum3A_48 [1] : vector<1x512xf32> to vector<1xf32>
    %reduce_sum3A_50 = vector.shape_cast %reduce_sum3A_49 : vector<1xf32> to vector<1x1xf32>
    %reduce_sum3A_51 = vector.extract %reduce_sum3A_50[0, 0] : f32 from vector<1x1xf32>
    %eq3A = arith.constant 0 : i32
    %eq3A_52 = arith.cmpi eq, %arg0, %eq3A : i32
    %convert_element_type3A_53 = arith.extui %eq3A_52 : i1 to i32
    %cond3A = arith.constant 0 : i32
    %cond3A_54 = arith.cmpi ne, %convert_element_type3A_53, %cond3A : i32
    scf.if %cond3A_54 {
      %swap3A_62 = arith.constant 0.000000e+00 : f32
      %swap3A_63 = arith.constant 0 : index
      %swap3A_64 = arith.constant 0 : index
      %swap3A_65 = memref.load %arg4[%swap3A_63, %swap3A_64] : memref<1x1xf32, #tpu.memory_space<smem>>
      memref.store %swap3A_62, %arg4[%swap3A_63, %swap3A_64] : memref<1x1xf32, #tpu.memory_space<smem>>
    } else {
    }
    %get3A_55 = arith.constant 0 : index
    %get3A_56 = arith.constant 0 : index
    %get3A_57 = memref.load %arg4[%get3A_55, %get3A_56] : memref<1x1xf32, #tpu.memory_space<smem>>
    %add3A_58 = arith.addf %get3A_57, %reduce_sum3A_51 : f32
    %swap3A_59 = arith.constant 0 : index
    %swap3A_60 = arith.constant 0 : index
    %swap3A_61 = memref.load %arg4[%swap3A_59, %swap3A_60] : memref<1x1xf32, #tpu.memory_space<smem>>
    memref.store %add3A_58, %arg4[%swap3A_59, %swap3A_60] : memref<1x1xf32, #tpu.memory_space<smem>>
    return
  }
  func.func @transform_0(%arg0: i32) -> (i32, i32) {
    %c0_i32 = arith.constant 0 : i32
    %c0_i32_0 = arith.constant 0 : i32
    return %arg0, %c0_i32 : i32, i32
  }
  func.func @transform_1(%arg0: i32) -> (i32, i32) {
    %c0_i32 = arith.constant 0 : i32
    %c0_i32_0 = arith.constant 0 : i32
    %c0_i32_1 = arith.constant 0 : i32
    return %c0_i32, %c0_i32_0 : i32, i32
  }
  func.func @transform_2(%arg0: i32) -> (i32, i32, i32) {
    %c0_i32 = arith.constant 0 : i32
    %c0_i32_0 = arith.constant 0 : i32
    %c0_i32_1 = arith.constant 0 : i32
    return %arg0, %c0_i32, %c0_i32_0 : i32, i32, i32
  }
  func.func @transform_3(%arg0: i32) -> (i32, i32) {
    %c0_i32 = arith.constant 0 : i32
    %c0_i32_0 = arith.constant 0 : i32
    %c0_i32_1 = arith.constant 0 : i32
    return %c0_i32, %c0_i32_0 : i32, i32
  }
}

</mosaic_0001>

<sc_bundles>
// kernel: kernel.4.cloned.1.call-start
scs
__scs_entry_jumppad:
0x0: {  	(pc) =	sbr.rel $0x88, $3  }
0x1: {  	(tag) =	ssettag $0x0;
	lr =	simm.s32 $0x1  }
0x2: {  	[smem:$0x3F9F] =	sst lr;
	_ =	strace $0xD0000000  }
0x3: {  	_ = 	snop  }
0x4: {  	_ = 	snop  }
0x5: {  	_ = 	snop  }
0x6: {  	_ = 	snop  }
0x7: {  	_ = 	snop  }
__scs_overlays_trampoline_lowered:
0x8: {  	[smem:$0x3FAE] =	sst s0  }
0x9: {  	[smem:$0x3FAF] =	sst s1  }
0xa: {  	[smem:$0x3FB0] =	sst s2  }
0xb: {  	[smem:$0x3FB1] =	sst s3  }
0xc: {  	[smem:$0x3FB2] =	sst s4  }
0xd: {  	[smem:$0x3FB3] =	sst s5  }
0xe: {  	[smem:$0x3FB4] =	sst s6  }
0xf: {  	[smem:$0x3FB5] =	sst s7  }
0x10: {  	[smem:$0x3FB6] =	sst s8  }
0x11: {  	[smem:$0x3FB7] =	sst s9;
	s0 =	simm.s32 @!p0 $0x0  }
0x12: {  	s1 =	sld [smem:$0x3F9D];
	s0 =	simm.s32 @p0 $0x1  }
0x13: {  	[smem:$0x3FB8] =	sst s0;
	s0 =	simm.s32 @!p1 $0x0  }
0x14: {  	s2 =	sld [smem:$0x3F9C];
	s0 =	simm.s32 @p1 $0x1  }
0x15: {  	[smem:$0x3FB9] =	sst s0;
	s0 =	simm.s32 @!p2 $0x0  }
0x16: {  	s3 =	sld [smem:$0x3FDB];
	s0 =	simm.s32 @p2 $0x1  }
0x17: {  	s4 =	simm.s32 $0x1BF5;
	[smem:$0x3FBB] =	sst s0  }
0x18: {  	s0 =	sld [smem:$0x3F9E];
	_ =	swait.ge [sflag:s4], $0x0  }
0x19: {  	s7 =	sld [smem:$0x3F9F]  }
0x1a: {  	s8 =	sadd.s32 $0xFFFFE003, lr  }
0x1b: {  	s9 =	sadd.s32 $0xFFFFFEF7, lr;
	s5 =	simm.s32 $0xFFFFFFFF;
	p2 =	slt.u32 s8, $0xFFFFF086  }
0x1c: {  	p1 =	slt.u32 s9, $0xF7A;
	s5 =	simm.s32 @!p2 $0x0  }
0x1d: {  	s5 =	simm.s32 @p1 $0x1;
	p0 =	seq.s32 s7, s2  }
0x1e: {  	s7 =	smul.u32 @!p0 $0xF7A, s2;
	p2 =	seq.s32 @!p0 s5, $0x0  }
0x1f: {  	s9 =	smul.u32 $0xF7A, s1;
	s8 =	simm.s32 @!p0 $0x1BF5;
	p2 =	por !p2, p0  }
0x20: {  	[sflag:s8] =	ssyncset.s32 @!p0 $0xFFFFF086;
	s6 =	sadd.s32 @!p0 s3, s7;
	s7 =	simm.s32 @!p0 $0x108  }
0x21: {  	s3 =	sadd.s32 s3, s9;
	s6 =	sadd.s32 @!p0 $0x88, s6;
	s7 =	simm.s32 @p2 $0x1082  }
0x22: {  	[simem:s7], [sflag:s8] =	dma.local @!p0 [hbm:s6], $0xF7A  }
0x23: {  	s9 =	sor.u32 $0xD0000000, s2;
	s6 =	simm.s32 $0x108;
	_ =	swait.ge @!p0 [sflag:s8], $0x0  }
0x24: {  	s3 =	sadd.s32 $0x88, s3;
	s6 =	simm.s32 @!p1 $0x1082;
	[sflag:s4] =	ssyncset.s32 $0xFFFFF086  }
0x25: {  	[simem:s6], [sflag:s4] =	dma.local [hbm:s3], $0xF7A  }
0x26: {  	[smem:$0x3F9F] =	sst s1;
	(tag) =	ssettag s2;
	_ =	strace s9  }
0x27: {  	s1 =	sld [smem:$0x3FAF]  }
0x28: {  	s2 =	sld [smem:$0x3FB0]  }
0x29: {  	s4 =	sld [smem:$0x3FB2]  }
0x2a: {  	p0 =	seq.s32 s5, $0x0;
	s5 =	sld [smem:$0x3FB3]  }
0x2b: {  	s6 =	sld [smem:$0x3FB4]  }
0x2c: {  	s7 =	sld [smem:$0x3FB5]  }
0x2d: {  	s3 =	simm.s32 $0x108;
	s8 =	sld [smem:$0x3FB6]  }
0x2e: {  	s3 =	simm.s32 @!p0 $0x1082;
	s9 =	sld [smem:$0x3FB7]  }
0x2f: {  	lr =	sadd.s32 s0, s3;
	s0 =	sld [smem:$0x3FAE]  }
0x30: {  	s3 =	sld [smem:$0x3FB1]  }
0x31: {  	[smem:$0x3FBA] =	sst s10  }
0x32: {  	s10 =	sld [smem:$0x3FB8];
	_ =	sdelay $0x3  }
0x33: {  	p0 =	seq.s32 s10, $0x1;
	s10 =	sld [smem:$0x3FBA];
	_ =	sdelay $0x3  }
0x34: {  	[smem:$0x3FBA] =	sst s10  }
0x35: {  	s10 =	sld [smem:$0x3FB9];
	_ =	sdelay $0x3  }
0x36: {  	p1 =	seq.s32 s10, $0x1;
	s10 =	sld [smem:$0x3FBA];
	_ =	sdelay $0x3  }
0x37: {  	[smem:$0x3FBA] =	sst s10  }
0x38: {  	s10 =	sld [smem:$0x3FBB]  }
0x39: {  	_ = 	snop;
	(pc) =	sbr.ind lr, $3  }
0x3a: {  	_ = 	snop  }
0x3b: {  	_ = 	snop  }
0x3c: {  	p2 =	seq.s32 s10, $0x1;
	s10 =	sld [smem:$0x3FBA]  }
0x3d: {  	_ =	shalt  }
0x3e: {  	_ =	shalt  }
0x3f: {  	_ =	shalt  }
0x40: {  	_ =	shalt  }
0x41: {  	_ =	shalt  }
0x42: {  	_ =	shalt  }
0x43: {  	_ =	shalt  }
0x44: {  	_ =	shalt  }
0x45: {  	_ =	shalt  }
0x46: {  	_ =	shalt  }
0x47: {  	_ =	shalt  }
0x48: {  	_ =	shalt  }
0x49: {  	_ =	shalt  }
0x4a: {  	_ =	shalt  }
0x4b: {  	_ =	shalt  }
0x4c: {  	_ =	shalt  }
0x4d: {  	_ =	shalt  }
0x4e: {  	_ =	shalt  }
0x4f: {  	_ =	shalt  }
0x50: {  	_ =	shalt  }
0x51: {  	_ =	shalt  }
0x52: {  	_ =	shalt  }
0x53: {  	_ =	shalt  }
0x54: {  	_ =	shalt  }
0x55: {  	_ =	shalt  }
0x56: {  	_ =	shalt  }
0x57: {  	_ =	shalt  }
0x58: {  	_ =	shalt  }
0x59: {  	_ =	shalt  }
0x5a: {  	_ =	shalt  }
0x5b: {  	_ =	shalt  }
0x5c: {  	_ =	shalt  }
0x5d: {  	_ =	shalt  }
0x5e: {  	_ =	shalt  }
0x5f: {  	_ =	shalt  }
0x60: {  	_ =	shalt  }
0x61: {  	_ =	shalt  }
0x62: {  	_ =	shalt  }
0x63: {  	_ =	shalt  }
0x64: {  	_ =	shalt  }
0x65: {  	_ =	shalt  }
0x66: {  	_ =	shalt  }
0x67: {  	_ =	shalt  }
0x68: {  	_ =	shalt  }
0x69: {  	_ =	shalt  }
0x6a: {  	_ =	shalt  }
0x6b: {  	_ =	shalt  }
0x6c: {  	_ =	shalt  }
0x6d: {  	_ =	shalt  }
0x6e: {  	_ =	shalt  }
0x6f: {  	_ =	shalt  }
0x70: {  	_ =	shalt  }
0x71: {  	_ =	shalt  }
0x72: {  	_ =	shalt  }
0x73: {  	_ =	shalt  }
0x74: {  	_ =	shalt  }
0x75: {  	_ =	shalt  }
0x76: {  	_ =	shalt  }
0x77: {  	_ =	shalt  }
0x78: {  	_ =	shalt  }
0x79: {  	_ =	shalt  }
0x7a: {  	_ =	shalt  }
0x7b: {  	_ =	shalt  }
0x7c: {  	_ =	shalt  }
0x7d: {  	_ =	shalt  }
0x7e: {  	_ =	shalt  }
0x7f: {  	_ =	shalt  }
0x80: {  	_ =	shalt  }
0x81: {  	_ =	shalt  }
0x82: {  	_ =	shalt  }
0x83: {  	_ =	shalt  }
0x84: {  	_ =	shalt  }
0x85: {  	_ =	shalt  }
0x86: {  	_ =	shalt  }
0x87: {  	_ =	shalt  }
.Lfunc_end0:
.L_simem_size_0:
called_computation_lowered:
.L_overlay_start_0:
0x88: {  	s2 =	sld [smem:$0x3FD9]  }
0x89: {  	s3 =	sld [smem:$0x3FFE];
	_ =	sdelay $0x1  }
0x8a: {  	s1 =	srdreg.scid  }
0x8b: {  	s0 =	sand.u32 $0x1, s1  }
0x8c: {  	s14 =	sshll.u32 s0, $0xA;
	s2 =	sadd.s32 s3, s2  }
0x8d: {  	s2 =	sadd.s32 s2, s14  }
0x8e: {  	[smem:$0x3FC6] =	sst s2  }
0x8f: {  	_ = 	snop  }
0x90: {  	s2 =	sld [smem:$0x3FD0];
	_ =	sdelay $0x2  }
0x91: {  	s15 =	simm.s32 $0xA;
	s4 =	simm.s32 $0x10  }
0x92: {  	[smem:s4], [sflag:s15] =	dma.local [hbm:s2], $0x1  }
0x93: {  	_ =	swait.eq [sflag:s15], $0x1  }
0x94: {  	[sflag:s15] =	ssyncset.done $0x0  }
0x95: {  	[sflag:s15] =	ssyncadd.s32 $0xFFFFFFFF  }
0x96: {  	s16 =	sld [smem:$0x10];
	(tm) =	ssettm $0x1  }
0x97: {  	s17 =	sld [smem:$0x3FFB];
	_ =	sdelay $0x3  }
0x98: {  	_ =	strace s17  }
0x99: {  	s3 =	sld [smem:$0x3FFC];
	_ =	sdelay $0x3  }
0x9a: {  	_ =	strace s3  }
0x9b: {  	s3 =	sld [smem:$0x3FFD];
	_ =	sdelay $0x3  }
0x9c: {  	_ =	strace s3  }
0x9d: {  	_ =	strace $0x8FFFFFFF  }
0x9e: {  	s18 =	sld [smem:$0x3FDB];
	_ =	sdelay $0x1  }
0x9f: {  	s19 =	simm.s32 $_scs_section_size  }
0xa0: {  	s5 =	simm.s32 $_size__tile_overlayer_lowered;
	s6 =	simm.s32 $_tile_overlayer_lowered  }
0xa1: {  	s22 =	simm.s32 $0x1BFF;
	s21 =	sshll.u32 s6, $0x1;
	s3 =	sadd.s32 s19, s18  }
0xa2: {  	s7 =	simm.s32 $0x0;
	s20 =	sshll.u32 s5, $0x1;
	s5 =	sadd.s32 s21, s3  }
0xa3: {  	[timem:s7], [sflag:s22] =	dma.local [hbm:s5], s20  }
0xa4: {  	_ =	swait.ge [sflag:s22], s20  }
0xa5: {  	s4 =	ssub.s32 $0x0, s20;
	[sflag:s22] =	ssyncset.done $0x0  }
0xa6: {  	[sflag:s22] =	ssyncadd.s32 s4;
	_ =	sdelay $0x1  }
0xa7: {  	s23 =	simm.s32 $0x1B8B  }
0xa8: {  	_ =	swait.ge [sflag:s23], $0x1  }
0xa9: {  	[sflag:s23] =	ssyncset.done $0x0  }
0xaa: {  	s25 =	simm.s32 $0x1B8E;
	s24 =	sld [smem:$0x3FFE];
	[sflag:s23] =	ssyncadd.s32 $0xFFFFFFFF  }
0xab: {  	s26 =	simm.s32 $execute0_lowered;
	[smem:$0x3FD2] =	sst s25  }
0xac: {  	s5 =	sshll.u32 s26, $0x1;
	_ =	strace $0x80000046;
	[dreg:$0x1] =	wrdreg $0xFFFFFFFF  }
0xad: {  	s28 =	simm.s32 $_size_execute0_lowered;
	s3 =	sadd.s32 s3, s5;
	[dreg:$0x0] =	wrdreg $0x0  }
0xae: {  	s5 =	sshll.u32 s28, $0x1;
	[dreg:$0x2] =	wrdreg s3  }
0xaf: {  	[dreg:$0x3] =	wrdreg s5  }
0xb0: {  	[dreg:$0x4] =	wrdreg $0xC0  }
0xb1: {  	_ =	task [dreg:s7], $0x5FFFF  }
0xb2: {  	[dreg:$0x1] =	wrdreg $0xFFFFFFFF  }
0xb3: {  	[dreg:$0x0] =	wrdreg $0x60  }
0xb4: {  	[dreg:$0x2] =	wrdreg s24  }
0xb5: {  	[dreg:$0x3] =	wrdreg s16  }
0xb6: {  	[dreg:$0x4] =	wrdreg $0x9  }
0xb7: {  	_ =	task.clear_ibuf [dreg:s7], $0x5FFFF;
	_ =	strace $0x90000046  }
0xb8: {  	s29 =	simm.s32 $0x9;
	_ =	strace $0x80000048  }
0xb9: {  	_ =	swait.ge [sflag:s29], $0x1  }
0xba: {  	[sflag:s29] =	ssyncadd.s32 $0xFFFFFFFF  }
0xbb: {  	_ =	strace $0x90000048  }
0xbc: {  	_ =	sfence  }
0xbd: {  	s30 =	sld [smem:$0x0];
	_ =	sdelay $0x2  }
0xbe: {  	s31 =	sshll.u32 s1, $0xD;
	s1 =	sshrl.u32 s1, $0x2  }
0xbf: {  	s3 =	sand.u32 $0x4000, s31;
	s1 =	sadd.s32 s1, s30  }
0xc0: {  	s0 =	sor.u32 s3, s0;
	s1 =	sshll.u32 s1, $0x11  }
0xc1: {  	s0 =	sor.u32 s1, s0  }
0xc2: {  	s0 =	sadd.s32 $0x8F2B, s0  }
0xc3: {  	[sflag:s0] =	ssyncadd.remote.s32 $0x1  }
0xc4: {  	_ =	sfence.sel $0xFFFF  }
0xc5: {  	[dreg:$0x0] =	wrdreg $0xFFFFFFFF;
	(pc) =	sbr.abs _section_cstart, $3  }
0xc6: {  	[dreg:$0x1] =	wrdreg $0xFFFFFFFF  }
0xc7: {  	_ =	task.clear_ibuf [dreg:s7], $0x2FFFF;
	_ =	strace $0x9FFFFFFF  }
0xc8: {  	(tm) =	ssettm $0x7FFFFFFF  }
0xc9: {  	_ =	shalt  }
tec
execute0_lowered:
.L_overlay_start_1:
0x0: {  	(tag) =	ssettag $0x1  }
0x1: {  	s1 =	srdreg.scid;
	s0 =	stileid.u32  }
0x2: {  	s5 =	rddreg [dreg:$0x0];
	s24 =	sand.u32 $0x1, s1;
	s30 =	sshll.u32 s0, $0x1  }
0x3: {  	s22 =	rddreg [dreg:$0x1];
	s23 =	sor.u32 s24, s30  }
0x4: {  	s2 =	simm.s32 $0x0;
	s1 =	rddreg [dreg:$0x2];
	s3 =	sshll.u32 s23, $0x7  }
0x5: {  	[smem:$0x7FF] =	sst s2;
	s3 =	sadd.s32 s3, s5  }
0x6: {  	_ =	strace $0x80000047;
	s4 =	sadd.s32 $0x9000, s3;
	s3 =	simm.s32 $0x2  }
0x7: {  	[tilespmem:s2], [sflag:$0x2] =	stream.linear.gather [hbm4b:s4+s2], $0x400, $0x38;
	[tilespmem:$0x8400] =	vst v63  }
0x8: {  	_ =	swait.ge [sflag:s3], $0x400  }
0x9: {  	s6 =	simm.s32 $0x80;
	[sflag:s3] =	ssyncset.done $0x0  }
0xa: {  	s7 =	simm.s32 $0x400;
	s5 =	sadd.s32 $0x1000, s5;
	[sflag:s3] =	ssyncadd.s32 $0xFFFFFC00  }
0xb: {  	[tilespmem:s7], [sflag:$0x1] =	stream.indirect.gather [hbm4b:s5+s6], $0x20, s2, s6, $0xb8;
	[tilespmem:$0x8400] =	vst v63  }
0xc: {  	s8 =	simm.s32 $0x1400  }
0xd: {  	[tilespmem:s8], [sflag:$0x1] =	stream.indirect.gather [hbm4b:s5+s6], $0x20, s6, s6, $0xb8;
	[tilespmem:$0x8400] =	vst v63  }
0xe: {  	s9 =	simm.s32 $0x100;
	s10 =	simm.s32 $0x2400  }
0xf: {  	[tilespmem:s10], [sflag:$0x1] =	stream.indirect.gather [hbm4b:s5+s6], $0x20, s9, s6, $0xb8;
	[tilespmem:$0x8400] =	vst v63  }
0x10: {  	s11 =	simm.s32 $0x180;
	s12 =	simm.s32 $0x3400  }
0x11: {  	[tilespmem:s12], [sflag:$0x1] =	stream.indirect.gather [hbm4b:s5+s6], $0x20, s11, s6, $0xb8;
	[tilespmem:$0x8400] =	vst v63  }
0x12: {  	s13 =	simm.s32 $0x200;
	s14 =	simm.s32 $0x4400  }
0x13: {  	[tilespmem:s14], [sflag:$0x1] =	stream.indirect.gather [hbm4b:s5+s6], $0x20, s13, s6, $0xb8;
	[tilespmem:$0x8400] =	vst v63  }
0x14: {  	s15 =	simm.s32 $0x280;
	s16 =	simm.s32 $0x5400  }
0x15: {  	[tilespmem:s16], [sflag:$0x1] =	stream.indirect.gather [hbm4b:s5+s6], $0x20, s15, s6, $0xb8;
	[tilespmem:$0x8400] =	vst v63  }
0x16: {  	s17 =	simm.s32 $0x300;
	s18 =	simm.s32 $0x6400  }
0x17: {  	[tilespmem:s18], [sflag:$0x1] =	stream.indirect.gather [hbm4b:s5+s6], $0x20, s17, s6, $0xb8;
	[tilespmem:$0x8400] =	vst v63  }
0x18: {  	s19 =	simm.s32 $0x380;
	s20 =	simm.s32 $0x7400;
	s21 =	simm.s32 $0x1  }
0x19: {  	[tilespmem:s20], [sflag:$0x1] =	stream.indirect.gather [hbm4b:s5+s6], $0x20, s19, s6, $0xb8;
	[tilespmem:$0x8400] =	vst v63  }
0x1a: {  	_ =	swait.ge [sflag:s21], $0x1000  }
0x1b: {  	[sflag:s21] =	ssyncset.done $0x0  }
0x1c: {  	[sflag:s21] =	ssyncadd.s32 $0xFFFFF000  }
0x1d: {  	_ =	swait.ge [sflag:s21], $0x1000  }
0x1e: {  	[sflag:s21] =	ssyncset.done $0x0  }
0x1f: {  	[sflag:s21] =	ssyncadd.s32 $0xFFFFF000  }
0x20: {  	_ =	swait.ge [sflag:s21], $0x1000  }
0x21: {  	[sflag:s21] =	ssyncset.done $0x0  }
0x22: {  	[sflag:s21] =	ssyncadd.s32 $0xFFFFF000  }
0x23: {  	_ =	swait.ge [sflag:s21], $0x1000  }
0x24: {  	[sflag:s21] =	ssyncset.done $0x0  }
0x25: {  	[sflag:s21] =	ssyncadd.s32 $0xFFFFF000  }
0x26: {  	_ =	swait.ge [sflag:s21], $0x1000  }
0x27: {  	[sflag:s21] =	ssyncset.done $0x0  }
0x28: {  	[sflag:s21] =	ssyncadd.s32 $0xFFFFF000  }
0x29: {  	_ =	swait.ge [sflag:s21], $0x1000  }
0x2a: {  	[sflag:s21] =	ssyncset.done $0x0  }
0x2b: {  	s24 =	ssub.s32 $0x2, s24;
	[sflag:s21] =	ssyncadd.s32 $0xFFFFF000  }
0x2c: {  	s25 =	sshrl.u32 s24, $0x1;
	_ =	swait.ge [sflag:s21], $0x1000  }
0x2d: {  	s24 =	ssub.s32 s24, s25;
	[sflag:s21] =	ssyncset.done $0x0  }
0x2e: {  	s31 =	smax.u32 s24, $0x1;
	[sflag:s21] =	ssyncadd.s32 $0xFFFFF000  }
0x2f: {  	p0 =	sne.s32 s31, $0x1;
	_ =	swait.ge [sflag:s21], $0x1000  }
.Ltmp0:
0x30: {  	s23 =	sshll.u32 s23, $0xC;
	[sflag:s21] =	ssyncset.done $0x0;
	(pc) =	sbr.rel @!p0 .LBB2_2-.Ltmp0, $4  }
0x31: {  	s22 =	sadd.s32 s22, s23;
	[sflag:s21] =	ssyncadd.s32 $0xFFFFF000  }
0x32: {  	[hbm4b:s22+s2] =	stream.linear.scatter [tilespmem:s7], [sflag:$0x2], $0x8000, $0x38;
	[tilespmem:$0x8400] =	vst v63  }
0x33: {  	_ =	swait.ge [sflag:s3], $0x8000  }
0x34: {  	s23 =	sadd.s32 $0xFFFFFFFF, s31;
	[sflag:s3] =	ssyncset.done $0x0  }
.LBB2_1:
0x35: {  	p0 =	sne.s32 s23, $0x1;
	s23 =	sadd.s32 $0xFFFFFFFF, s23;
	[sflag:s3] =	ssyncadd.s32 $0xFFFF8000  }
0x36: {  	[tilespmem:s2], [sflag:$0x2] =	stream.linear.gather [hbm4b:s4+s2], $0x400, $0x38;
	[tilespmem:$0x8400] =	vst v63  }
0x37: {  	_ =	swait.ge [sflag:s3], $0x400  }
0x38: {  	[sflag:s3] =	ssyncset.done $0x0  }
0x39: {  	[sflag:s3] =	ssyncadd.s32 $0xFFFFFC00  }
0x3a: {  	[tilespmem:s7], [sflag:$0x1] =	stream.indirect.gather [hbm4b:s5+s6], $0x20, s2, s6, $0xb8;
	[tilespmem:$0x8400] =	vst v63  }
0x3b: {  	_ = 	snop  }
0x3c: {  	[tilespmem:s8], [sflag:$0x1] =	stream.indirect.gather [hbm4b:s5+s6], $0x20, s6, s6, $0xb8;
	[tilespmem:$0x8400] =	vst v63  }
0x3d: {  	_ = 	snop  }
0x3e: {  	[tilespmem:s10], [sflag:$0x1] =	stream.indirect.gather [hbm4b:s5+s6], $0x20, s9, s6, $0xb8;
	[tilespmem:$0x8400] =	vst v63  }
0x3f: {  	_ = 	snop  }
0x40: {  	[tilespmem:s12], [sflag:$0x1] =	stream.indirect.gather [hbm4b:s5+s6], $0x20, s11, s6, $0xb8;
	[tilespmem:$0x8400] =	vst v63  }
0x41: {  	_ = 	snop  }
0x42: {  	[tilespmem:s14], [sflag:$0x1] =	stream.indirect.gather [hbm4b:s5+s6], $0x20, s13, s6, $0xb8;
	[tilespmem:$0x8400] =	vst v63  }
0x43: {  	_ = 	snop  }
0x44: {  	[tilespmem:s16], [sflag:$0x1] =	stream.indirect.gather [hbm4b:s5+s6], $0x20, s15, s6, $0xb8;
	[tilespmem:$0x8400] =	vst v63  }
0x45: {  	_ = 	snop  }
0x46: {  	[tilespmem:s18], [sflag:$0x1] =	stream.indirect.gather [hbm4b:s5+s6], $0x20, s17, s6, $0xb8;
	[tilespmem:$0x8400] =	vst v63  }
0x47: {  	_ = 	snop  }
0x48: {  	[tilespmem:s20], [sflag:$0x1] =	stream.indirect.gather [hbm4b:s5+s6], $0x20, s19, s6, $0xb8;
	[tilespmem:$0x8400] =	vst v63  }
0x49: {  	_ =	swait.ge [sflag:s21], $0x1000  }
0x4a: {  	[sflag:s21] =	ssyncset.done $0x0  }
0x4b: {  	[sflag:s21] =	ssyncadd.s32 $0xFFFFF000  }
0x4c: {  	_ =	swait.ge [sflag:s21], $0x1000  }
0x4d: {  	[sflag:s21] =	ssyncset.done $0x0  }
0x4e: {  	[sflag:s21] =	ssyncadd.s32 $0xFFFFF000  }
0x4f: {  	_ =	swait.ge [sflag:s21], $0x1000  }
0x50: {  	[sflag:s21] =	ssyncset.done $0x0  }
0x51: {  	[sflag:s21] =	ssyncadd.s32 $0xFFFFF000  }
0x52: {  	_ =	swait.ge [sflag:s21], $0x1000  }
0x53: {  	[sflag:s21] =	ssyncset.done $0x0  }
0x54: {  	[sflag:s21] =	ssyncadd.s32 $0xFFFFF000  }
0x55: {  	_ =	swait.ge [sflag:s21], $0x1000  }
0x56: {  	[sflag:s21] =	ssyncset.done $0x0  }
0x57: {  	[sflag:s21] =	ssyncadd.s32 $0xFFFFF000  }
0x58: {  	_ =	swait.ge [sflag:s21], $0x1000  }
0x59: {  	[sflag:s21] =	ssyncset.done $0x0  }
0x5a: {  	[sflag:s21] =	ssyncadd.s32 $0xFFFFF000  }
0x5b: {  	_ =	swait.ge [sflag:s21], $0x1000  }
0x5c: {  	[sflag:s21] =	ssyncset.done $0x0  }
0x5d: {  	[sflag:s21] =	ssyncadd.s32 $0xFFFFF000  }
0x5e: {  	_ =	swait.ge [sflag:s21], $0x1000  }
.Ltmp1:
0x5f: {  	[sflag:s21] =	ssyncset.done $0x0;
	(pc) =	sbr.rel @p0 .LBB2_1-.Ltmp1, $4  }
0x60: {  	[sflag:s21] =	ssyncadd.s32 $0xFFFFF000  }
0x61: {  	[hbm4b:s22+s2] =	stream.linear.scatter [tilespmem:s7], [sflag:$0x2], $0x8000, $0x38;
	[tilespmem:$0x8400] =	vst v63  }
0x62: {  	_ =	swait.ge [sflag:s3], $0x8000  }
0x63: {  	[sflag:s3] =	ssyncset.done $0x0  }
.LBB2_2:
0x64: {  	[sflag:s3] =	ssyncadd.s32 $0xFFFF8000  }
0x65: {  	_ =	sfence.sel $0x180000  }
0x66: {  	[bflag:$0x0] =	sbarrier.arrive $0xFFFF  }
0x67: {  	p0 =	sne.s32 s0, $0x0;
	_ =	strace $0x90000047  }
0x68: {  	s0 =	sadd.s32 @!p0 $0x100000, s1;
	[bflag:$0x2] =	sbarrier.arrive $0xFFFF  }
0x69: {  	[sflag:s0] =	ssyncadd.tile.s32 @!p0 $0x1;
	_ =	shalt  }
.Lfunc_end2:
_tile_overlayer_lowered:
.L_overlay_start_2:
0x6a: {  	(tag) =	ssettag $0x2  }
0x6b: {  	s0 =	rddreg [dreg:$0x0];
	s2 =	stileid.u32  }
0x6c: {  	s1 =	rddreg [dreg:$0x1];
	p0 =	sne.s32 s2, $0x0  }
0x6d: {  	s3 =	rddreg [dreg:$0x2];
	[bflag:$0x3] =	sbarrier.arrive $0xFFFF;
	s2 =	simm.s32 @!p0 $0x1C02  }
0x6e: {  	[timem:s3], [sflag:s2] =	dma.local @!p0 [hbm:s0], s1  }
0x6f: {  	s0 =	simm.s32 @!p0 $0x2  }
0x70: {  	_ =	swait.ge @!p0 [sflag:s0], s1  }
0x71: {  	s1 =	ssub.s32 @!p0 $0x0, s1;
	[sflag:s0] =	ssyncset.done @!p0 $0x0  }
0x72: {  	[sflag:s0] =	ssyncadd.s32 @!p0 s1  }
0x73: {  	[bflag:$0x3] =	sbarrier.arrive $0xFFFF  }
0x74: {  	_ =	shalt  }

</sc_bundles>
